<compile_context>
chip_gen: v7x
topology: tpu7x:2x2x1
jax: 0.10.2.dev20260603
libtpu: 0.0.44.dev20260713+nightly
codegen_flags: <defaults>
</compile_context>

<pallas_src>
import jax
import jax.numpy as jnp
from jax.experimental import pallas as pl
from jax.experimental.pallas import tpu as pltpu

_CLASS_NUM = 10
_ANCHOR_NUM = 3
_SCALE = 4.0
_G = 0.5
_BBOX_W = 1.0
_OBJ_W = 20.0
_CLS_W = 10.0


def _prep(p_shape, targets, anchor):
    K, J, I = int(p_shape[2]), int(p_shape[3]), int(p_shape[4])
    B, M = targets.shape[0], targets.shape[1]
    bs = jnp.broadcast_to(jnp.arange(B, dtype=jnp.float32)[:, None, None], (B, M, 1))
    bs_targets = jnp.concatenate([bs, targets], axis=-1).reshape(B * M, -1)
    mask = (targets[..., 4] > 0.5).reshape(-1)
    tn = bs_targets.shape[0]
    ai = jnp.broadcast_to(jnp.arange(_ANCHOR_NUM, dtype=jnp.float32)[:, None], (_ANCHOR_NUM, tn))
    t = jnp.concatenate(
        [jnp.broadcast_to(bs_targets[None], (_ANCHOR_NUM, tn, bs_targets.shape[1])), ai[..., None]],
        axis=2)
    off = jnp.array([[0, 0, 0], [1, 0, 0], [0, 1, 0], [0, 0, 1],
                     [-1, 0, 0], [0, -1, 0], [0, 0, -1]], dtype=jnp.float32) * _G
    anchor_norm = anchor[0] / _SCALE
    t = t.at[..., 1:5].set(t[..., 1:5] / _SCALE)
    r = (t[..., 4] / anchor_norm)[..., None]
    j = jnp.max(jnp.maximum(r, 1.0 / r), axis=2) < 4.0
    valid1 = (mask[None] & j).reshape(-1)
    t = t.reshape(_ANCHOR_NUM * tn, -1)
    gxyz0 = t[:, 1:4]
    gain_v = jnp.array([K, J, I], dtype=jnp.float32)
    gxyz_i = gain_v - gxyz0
    a, b, c = ((gxyz0 % 1 < _G) & (gxyz0 > 1)).T
    d, e, f = ((gxyz_i % 1 < _G) & (gxyz_i > 1)).T
    fm = jnp.stack([jnp.ones_like(a), a, b, c, d, e, f])
    valid = (valid1[None] & fm).reshape(-1)
    t = jnp.broadcast_to(t[None], (7,) + t.shape).reshape(7 * _ANCHOR_NUM * tn, -1)
    offsets = (jnp.zeros_like(gxyz0)[None] + off[:, None, :]).reshape(7 * _ANCHOR_NUM * tn, 3)
    b_idx = t[:, 0].astype(jnp.int32)
    a_idx = t[:, -1].astype(jnp.int32)
    tcls = t[:, 6:-1]
    gxyz = t[:, 1:4]
    gr_ = t[:, 4]
    gijk = (gxyz - offsets).astype(jnp.int32)
    gi = jnp.clip(gijk[:, 0], 0, I - 1)
    gj = jnp.clip(gijk[:, 1], 0, J - 1)
    gk = jnp.clip(gijk[:, 2], 0, K - 1)
    gijk_cl = jnp.stack([gi, gj, gk], axis=1).astype(jnp.float32)
    tbox = jnp.concatenate([gxyz - gijk_cl, gr_[:, None]], axis=1)
    anch = anchor_norm[a_idx]
    return (b_idx, a_idx, gk, gj, gi), tbox, anch, tcls, valid


def _obj_kernel(x_ref, t_ref, o_ref):
    i = pl.program_id(0)
    x = x_ref[...]
    t = t_ref[...]
    s = jnp.sum(jnp.maximum(x, 0.0) - x * t + jnp.log1p(jnp.exp(-jnp.abs(x))))

    @pl.when(i == 0)
    def _():
        o_ref[0, 0] = s

    @pl.when(i != 0)
    def _():
        o_ref[0, 0] = o_ref[0, 0] + s


def _match_kernel(pred_ref, tbox_ref, anch_ref, tcls_ref, valid_ref, o_ref):
    pred = pred_ref[...]
    tbox = tbox_ref[...]
    anch = anch_ref[...]
    tcls = tcls_ref[...]
    v = valid_ref[...]

    def sig(z):
        return 1.0 / (1.0 + jnp.exp(-z))

    eps = 1e-7
    x1 = sig(pred[0:1, :]) * 2.0 - 0.5
    y1 = sig(pred[1:2, :]) * 2.0 - 0.5
    z1 = sig(pred[2:3, :]) * 2.0 - 0.5
    r1 = (sig(pred[3:4, :]) * 2.0) ** 2 * anch
    x2 = tbox[0:1, :]
    y2 = tbox[1:2, :]
    z2 = tbox[2:3, :]
    r2 = tbox[3:4, :]
    iw = jnp.clip(jnp.minimum(x1 + r1, x2 + r2) - jnp.maximum(x1 - r1, x2 - r2), 0.0, None)
    ih = jnp.clip(jnp.minimum(y1 + r1, y2 + r2) - jnp.maximum(y1 - r1, y2 - r2), 0.0, None)
    idp = jnp.clip(jnp.minimum(z1 + r1, z2 + r2) - jnp.maximum(z1 - r1, z2 - r2), 0.0, None)
    inter = iw * ih * idp
    vol1 = (2.0 * r1) ** 3
    vol2 = (2.0 * r2) ** 3
    union = vol1 + vol2 - inter + eps
    iou = inter / union
    cw = jnp.maximum(x1 + r1, x2 + r2) - jnp.minimum(x1 - r1, x2 - r2)
    ch = jnp.maximum(y1 + r1, y2 + r2) - jnp.minimum(y1 - r1, y2 - r2)
    cd = jnp.maximum(z1 + r1, z2 + r2) - jnp.minimum(z1 - r1, z2 - r2)
    c2 = cw ** 2 + ch ** 2 + cd ** 2 + eps
    rho2 = (x1 - x2) ** 2 + (y1 - y2) ** 2 + (z1 - z2) ** 2
    dr2 = (2.0 * r1 - 2.0 * r2) ** 2
    eiou = iou - rho2 / c2 - dr2 / (cw ** 2 + eps) - dr2 / (ch ** 2 + eps) - dr2 / (cd ** 2 + eps)

    pc = pred[5:15, :]
    elem = jnp.maximum(pc, 0.0) - pc * tcls + jnp.log1p(jnp.exp(-jnp.abs(pc)))

    o_ref[0, 0] = jnp.sum(v)
    o_ref[0, 1] = jnp.sum(v * (1.0 - eiou))
    o_ref[0, 2] = jnp.sum(v * elem)


def kernel(p, targets, anchor):
    B, A, K, J, I, C = p.shape
    indices, tbox, anch, tcls, valid = _prep(p.shape, targets, anchor)
    b_idx, a_idx, gk, gj, gi = indices

    pred = p[b_idx, a_idx, gk, gj, gi]

    bs_sc = jnp.where(valid, b_idx, jnp.int32(B))
    tobj = jnp.zeros(p.shape[:5], jnp.float32).at[bs_sc, a_idx, gk, gj, gi].set(1.0, mode='drop')

    ncell = B * A * K * J * I
    x2d = p[..., 4].reshape(2592, 1024)
    t2d = tobj.reshape(2592, 1024)
    obj_sum = pl.pallas_call(
        _obj_kernel,
        grid=(9,),
        in_specs=[
            pl.BlockSpec((288, 1024), lambda i: (i, 0)),
            pl.BlockSpec((288, 1024), lambda i: (i, 0)),
        ],
        out_specs=pl.BlockSpec((1, 1), lambda i: (0, 0), memory_space=pltpu.SMEM),
        out_shape=jax.ShapeDtypeStruct((1, 1), jnp.float32),
    )(x2d, t2d)

    validf = valid.astype(jnp.float32)[None, :]
    sums = pl.pallas_call(
        _match_kernel,
        out_shape=jax.ShapeDtypeStruct((1, 3), jnp.float32),
        out_specs=pl.BlockSpec(memory_space=pltpu.SMEM),
    )(pred.T, tbox.T, anch.T, tcls.T, validf)

    cnt = sums[0, 0]
    denom = jnp.maximum(cnt, 1.0)
    loss_bbox = (sums[0, 1] / denom).reshape(1) * _BBOX_W
    loss_cls = (sums[0, 2] / (denom * _CLASS_NUM)).reshape(1) * _CLS_W
    loss_obj = (obj_sum[0, 0] / ncell).reshape(1) * _OBJ_W
    total = (loss_bbox + loss_obj + loss_cls) * B
    return (total, loss_obj, loss_cls)

# --- scband reference (transcript-rebuilt; emitter-appended) ---
"""Pipeline reference for scband-compute-loss-eiou-17360257811110 (READ-ONLY COPY).

The authoritative reference and input builder live on the scoring server;
editing this copy changes nothing except your own understanding.
"""

import jax, jax.numpy as jnp
import numpy as np

CLASS_NUM = 10
ANCHOR_NUM = 3
SCALE = 4.0
G = 0.5
GR = 0.0
BBOX_W = 1.0
OBJ_W = 20.0
CLS_W = 10.0


def bce_logits(x, y):
    # BCEWithLogitsLoss with pos_weight=1, mean reduction (numerically stable)
    return jnp.mean(jnp.clip(x, 0.0, None) - x * y + jnp.log1p(jnp.exp(-jnp.abs(x))))


def bbox_eiou(box1, box2, eps=1e-7):
    # 3D EIoU for (x, y, z, r) boxes treated as axis-aligned cubes of half-side r
    x1, y1, z1, r1 = box1[:, 0], box1[:, 1], box1[:, 2], box1[:, 3]
    x2, y2, z2, r2 = box2[:, 0], box2[:, 1], box2[:, 2], box2[:, 3]
    iw = jnp.clip(jnp.minimum(x1 + r1, x2 + r2) - jnp.maximum(x1 - r1, x2 - r2), 0.0, None)
    ih = jnp.clip(jnp.minimum(y1 + r1, y2 + r2) - jnp.maximum(y1 - r1, y2 - r2), 0.0, None)
    idp = jnp.clip(jnp.minimum(z1 + r1, z2 + r2) - jnp.maximum(z1 - r1, z2 - r2), 0.0, None)
    inter = iw * ih * idp
    vol1 = (2.0 * r1) ** 3
    vol2 = (2.0 * r2) ** 3
    union = vol1 + vol2 - inter + eps
    iou = inter / union
    cw = jnp.maximum(x1 + r1, x2 + r2) - jnp.minimum(x1 - r1, x2 - r2)
    ch = jnp.maximum(y1 + r1, y2 + r2) - jnp.minimum(y1 - r1, y2 - r2)
    cd = jnp.maximum(z1 + r1, z2 + r2) - jnp.minimum(z1 - r1, z2 - r2)
    c2 = cw ** 2 + ch ** 2 + cd ** 2 + eps
    rho2 = (x1 - x2) ** 2 + (y1 - y2) ** 2 + (z1 - z2) ** 2
    dr2 = (2.0 * r1 - 2.0 * r2) ** 2
    return iou - rho2 / c2 - dr2 / (cw ** 2 + eps) - dr2 / (ch ** 2 + eps) - dr2 / (cd ** 2 + eps)


def build_target(p_shape, targets, anchor):
    K, J, I = int(p_shape[2]), int(p_shape[3]), int(p_shape[4])
    B, M = targets.shape[0], targets.shape[1]
    bs = jnp.broadcast_to(jnp.arange(B, dtype=jnp.float32)[:, None, None], (B, M, 1))
    bs_targets = jnp.concatenate([bs, targets], axis=-1).reshape(B * M, -1)
    mask = (targets[..., 4] > 0.5).reshape(-1)
    tn = bs_targets.shape[0]
    ai = jnp.broadcast_to(jnp.arange(ANCHOR_NUM, dtype=jnp.float32)[:, None], (ANCHOR_NUM, tn))
    t = jnp.concatenate([jnp.broadcast_to(bs_targets[None], (ANCHOR_NUM, tn, bs_targets.shape[1])), ai[..., None]], axis=2)
    off = jnp.array([[0, 0, 0], [1, 0, 0], [0, 1, 0], [0, 0, 1], [-1, 0, 0], [0, -1, 0], [0, 0, -1]], dtype=jnp.float32) * G
    anchor_norm = anchor[0] / SCALE
    t = t.at[..., 1:5].set(t[..., 1:5] / SCALE)
    r = (t[..., 4] / anchor_norm)[..., None]
    j = jnp.max(jnp.maximum(r, 1.0 / r), axis=2) < 4.0
    valid1 = (mask[None] & j).reshape(-1)
    t = t.reshape(ANCHOR_NUM * tn, -1)
    gxyz0 = t[:, 1:4]
    gain_v = jnp.array([K, J, I], dtype=jnp.float32)
    gxyz_i = gain_v - gxyz0
    a, b, c = ((gxyz0 % 1 < G) & (gxyz0 > 1)).T
    d, e, f = ((gxyz_i % 1 < G) & (gxyz_i > 1)).T
    fm = jnp.stack([jnp.ones_like(a), a, b, c, d, e, f])
    valid = (valid1[None] & fm).reshape(-1)
    t = jnp.broadcast_to(t[None], (7,) + t.shape).reshape(7 * ANCHOR_NUM * tn, -1)
    offsets = (jnp.zeros_like(gxyz0)[None] + off[:, None, :]).reshape(7 * ANCHOR_NUM * tn, 3)
    b_idx = t[:, 0].astype(jnp.int32)
    a_idx = t[:, -1].astype(jnp.int32)
    tcls = t[:, 6:-1]
    gxyz = t[:, 1:4]
    gr_ = t[:, 4]
    gijk = (gxyz - offsets).astype(jnp.int32)
    gi = jnp.clip(gijk[:, 0], 0, I - 1)
    gj = jnp.clip(gijk[:, 1], 0, J - 1)
    gk = jnp.clip(gijk[:, 2], 0, K - 1)
    # torch clamps in-place, so tbox sees the clamped gijk
    gijk_cl = jnp.stack([gi, gj, gk], axis=1).astype(jnp.float32)
    tbox = jnp.concatenate([gxyz - gijk_cl, gr_[:, None]], axis=1)
    anch = anchor_norm[a_idx]
    return (b_idx, a_idx, gk, gj, gi), tbox, anch, tcls, valid


def _forward(p, targets, anchor):
    indices, tbox, anch, tcls, valid = build_target(p.shape, targets, anchor)
    bs_idx, an_idx, gk, gj, gi = indices
    tobj = jnp.zeros(p.shape[:5], dtype=jnp.float32)
    loss_bbox = jnp.zeros((1,), dtype=jnp.float32)
    loss_obj = jnp.zeros((1,), dtype=jnp.float32)
    loss_cls = jnp.zeros((1,), dtype=jnp.float32)
    n = int(bs_idx.shape[0])
    if n:
        pred = p[bs_idx, an_idx, gk, gj, gi]
        pred_xyz = jax.nn.sigmoid(pred[:, :3]) * 2.0 - 0.5
        pred_r = (jax.nn.sigmoid(pred[:, 3].reshape(-1, 1)) * 2.0) ** 2 * anch
        pred_cls = pred[:, 5:]
        pred_box = jnp.concatenate([pred_xyz, pred_r], axis=1)
        iou = bbox_eiou(pred_box, tbox)
        cnt = jnp.sum(valid.astype(jnp.float32))
        denom = jnp.maximum(cnt, 1.0)
        loss_bbox = loss_bbox + jnp.sum(jnp.where(valid, 1.0 - iou, 0.0)) / denom
        iou_d = jnp.clip(jax.lax.stop_gradient(iou), 0.0, None)
        iou_t = 1.0 - GR + GR * iou_d
        bs_sc = jnp.where(valid, bs_idx, jnp.int32(p.shape[0]))
        tobj = tobj.at[bs_sc, an_idx, gk, gj, gi].set(iou_t, mode='drop')
        if CLASS_NUM > 1:
            elem = jnp.clip(pred_cls, 0.0, None) - pred_cls * tcls + jnp.log1p(jnp.exp(-jnp.abs(pred_cls)))
            loss_cls = loss_cls + jnp.sum(jnp.where(valid[:, None], elem, 0.0)) / (denom * elem.shape[1])
    loss_obj = loss_obj + bce_logits(p[..., 4], tobj)
    loss_bbox = loss_bbox * BBOX_W
    loss_obj = loss_obj * OBJ_W
    loss_cls = loss_cls * CLS_W
    bsz = p.shape[0]
    return ((loss_bbox + loss_obj + loss_cls) * bsz, loss_obj, loss_cls)


def setup_inputs(seed: int = 0):
    key = jax.random.key(seed)
    k1, k2 = jax.random.split(key, 2)
    p = jax.random.normal(k1, (8, 3, 48, 48, 48, 15), dtype=jnp.float32)
    targets = jax.random.uniform(k2, (8, 256, 15), dtype=jnp.float32)
    anchor = jnp.array([[[1.0], [2.0], [4.0]]], dtype=jnp.float32)
    return {"p": p, "targets": targets, "anchor": anchor}


def reference(p, targets, anchor):
    return _forward(p, targets, anchor)

if __name__ == "__main__":
    import jax
    _d = setup_inputs()
    print(jax.jit(kernel)(*tuple(_d.values())))

</pallas_src>

<mosaic_0001>
module attributes {stable_mosaic.version = 14 : i64} {
  func.func @_obj_kernel(%arg0: i32, %arg1: memref<288x1024xf32, #tpu.memory_space<vmem>>, %arg2: memref<288x1024xf32, #tpu.memory_space<vmem>>, %arg3: memref<1x1xf32, #tpu.memory_space<smem>>) attributes {dimension_semantics = [#tpu.dimension_semantics<arbitrary>], iteration_bounds = array<i64: 9>, scalar_prefetch = 0 : i64, scratch_operands = 0 : i64, tpu.core_type = #tpu.core_type<tc>, window_params = [{transform_indices = @transform_0, window_bounds = array<i64: 288, 1024>}, {transform_indices = @transform_1, window_bounds = array<i64: 288, 1024>}, {transform_indices = @transform_2, window_bounds = array<i64: 1, 1>}]} {
    %get3A = arith.constant 0 : index
    %get3A_0 = arith.constant 0 : index
    %get3A_1 = vector.load %arg1[%get3A, %get3A_0] : memref<288x1024xf32, #tpu.memory_space<vmem>>, vector<288x1024xf32>
    %get3A_2 = arith.constant 0 : index
    %get3A_3 = arith.constant 0 : index
    %get3A_4 = vector.load %arg2[%get3A_2, %get3A_3] : memref<288x1024xf32, #tpu.memory_space<vmem>>, vector<288x1024xf32>
    %max3A = arith.constant 0.000000e+00 : f32
    %max3A_5 = vector.broadcast %max3A : f32 to vector<288x1024xf32>
    %max3A_6 = arith.maximumf %get3A_1, %max3A_5 : vector<288x1024xf32>
    %mul3A = arith.mulf %get3A_1, %get3A_4 : vector<288x1024xf32>
    %sub3A = arith.subf %max3A_6, %mul3A : vector<288x1024xf32>
    %abs3A = math.absf %get3A_1 : vector<288x1024xf32>
    %neg3A = arith.constant 0.000000e+00 : f32
    %neg3A_7 = vector.broadcast %neg3A : f32 to vector<288x1024xf32>
    %neg3A_8 = arith.subf %neg3A_7, %abs3A : vector<288x1024xf32>
    %exp3A = math.exp %neg3A_8 : vector<288x1024xf32>
    %log1p3A = math.log1p %exp3A : vector<288x1024xf32>
    %add3A = arith.addf %sub3A, %log1p3A : vector<288x1024xf32>
    %reduce_sum3A = vector.shape_cast %add3A : vector<288x1024xf32> to vector<1x288x1024xf32>
    %reduce_sum3A_9 = arith.constant dense<0.000000e+00> : vector<1xf32>
    %reduce_sum3A_10 = vector.multi_reduction <add>, %reduce_sum3A, %reduce_sum3A_9 [1, 2] : vector<1x288x1024xf32> to vector<1xf32>
    %reduce_sum3A_11 = vector.shape_cast %reduce_sum3A_10 : vector<1xf32> to vector<1x1x1xf32>
    %reduce_sum3A_12 = vector.extract %reduce_sum3A_11[0, 0, 0] : f32 from vector<1x1x1xf32>
    %eq3A = arith.constant 0 : i32
    %eq3A_13 = arith.cmpi eq, %arg0, %eq3A : i32
    %convert_element_type3A = arith.extui %eq3A_13 : i1 to i32
    %cond3A = arith.constant 0 : i32
    %cond3A_14 = arith.cmpi ne, %convert_element_type3A, %cond3A : i32
    scf.if %cond3A_14 {
      %swap3A = arith.constant 0 : index
      %swap3A_19 = arith.constant 0 : index
      %swap3A_20 = memref.load %arg3[%swap3A, %swap3A_19] : memref<1x1xf32, #tpu.memory_space<smem>>
      memref.store %reduce_sum3A_12, %arg3[%swap3A, %swap3A_19] : memref<1x1xf32, #tpu.memory_space<smem>>
    } else {
    }
    %ne3A = arith.constant 0 : i32
    %ne3A_15 = arith.cmpi ne, %arg0, %ne3A : i32
    %convert_element_type3A_16 = arith.extui %ne3A_15 : i1 to i32
    %cond3A_17 = arith.constant 0 : i32
    %cond3A_18 = arith.cmpi ne, %convert_element_type3A_16, %cond3A_17 : i32
    scf.if %cond3A_18 {
      %get3A_19 = arith.constant 0 : index
      %get3A_20 = arith.constant 0 : index
      %get3A_21 = memref.load %arg3[%get3A_19, %get3A_20] : memref<1x1xf32, #tpu.memory_space<smem>>
      %add3A_22 = arith.addf %get3A_21, %reduce_sum3A_12 : f32
      %swap3A = arith.constant 0 : index
      %swap3A_23 = arith.constant 0 : index
      %swap3A_24 = memref.load %arg3[%swap3A, %swap3A_23] : memref<1x1xf32, #tpu.memory_space<smem>>
      memref.store %add3A_22, %arg3[%swap3A, %swap3A_23] : memref<1x1xf32, #tpu.memory_space<smem>>
    } else {
    }
    return
  }
  func.func @transform_0(%arg0: i32) -> (i32, i32) {
    %c0_i32 = arith.constant 0 : i32
    %c0_i32_0 = arith.constant 0 : i32
    return %arg0, %c0_i32 : i32, i32
  }
  func.func @transform_1(%arg0: i32) -> (i32, i32) {
    %c0_i32 = arith.constant 0 : i32
    %c0_i32_0 = arith.constant 0 : i32
    return %arg0, %c0_i32 : i32, i32
  }
  func.func @transform_2(%arg0: i32) -> (i32, i32) {
    %c0_i32 = arith.constant 0 : i32
    %c0_i32_0 = arith.constant 0 : i32
    %c0_i32_1 = arith.constant 0 : i32
    return %c0_i32, %c0_i32_0 : i32, i32
  }
}

module attributes {stable_mosaic.version = 14 : i64} {
  func.func @_match_kernel(%arg0: memref<15x43008xf32, #tpu.memory_space<vmem>>, %arg1: memref<4x43008xf32, #tpu.memory_space<vmem>>, %arg2: memref<1x43008xf32, #tpu.memory_space<vmem>>, %arg3: memref<10x43008xf32, #tpu.memory_space<vmem>>, %arg4: memref<1x43008xf32, #tpu.memory_space<vmem>>, %arg5: memref<1x3xf32, #tpu.memory_space<smem>>) attributes {dimension_semantics = [], scalar_prefetch = 0 : i64, scratch_operands = 0 : i64, tpu.core_type = #tpu.core_type<tc>} {
    %get3A = arith.constant 0 : index
    %get3A_0 = arith.constant 0 : index
    %get3A_1 = vector.load %arg0[%get3A, %get3A_0] : memref<15x43008xf32, #tpu.memory_space<vmem>>, vector<15x43008xf32>
    %get3A_2 = arith.constant 0 : index
    %get3A_3 = arith.constant 0 : index
    %get3A_4 = vector.load %arg1[%get3A_2, %get3A_3] : memref<4x43008xf32, #tpu.memory_space<vmem>>, vector<4x43008xf32>
    %get3A_5 = arith.constant 0 : index
    %get3A_6 = arith.constant 0 : index
    %get3A_7 = vector.load %arg2[%get3A_5, %get3A_6] : memref<1x43008xf32, #tpu.memory_space<vmem>>, vector<1x43008xf32>
    %get3A_8 = arith.constant 0 : index
    %get3A_9 = arith.constant 0 : index
    %get3A_10 = vector.load %arg3[%get3A_8, %get3A_9] : memref<10x43008xf32, #tpu.memory_space<vmem>>, vector<10x43008xf32>
    %get3A_11 = arith.constant 0 : index
    %get3A_12 = arith.constant 0 : index
    %get3A_13 = vector.load %arg4[%get3A_11, %get3A_12] : memref<1x43008xf32, #tpu.memory_space<vmem>>, vector<1x43008xf32>
    %slice3A = vector.extract_strided_slice %get3A_1 {offsets = [0, 0], sizes = [1, 43008], strides = [1, 1]} : vector<15x43008xf32> to vector<1x43008xf32>
    %neg3A = arith.constant 0.000000e+00 : f32
    %neg3A_14 = vector.broadcast %neg3A : f32 to vector<1x43008xf32>
    %neg3A_15 = arith.subf %neg3A_14, %slice3A : vector<1x43008xf32>
    %exp3A = math.exp %neg3A_15 : vector<1x43008xf32>
    %add3A = arith.constant 1.000000e+00 : f32
    %add3A_16 = vector.broadcast %add3A : f32 to vector<1x43008xf32>
    %add3A_17 = arith.addf %add3A_16, %exp3A : vector<1x43008xf32>
    %div3A = arith.constant 1.000000e+00 : f32
    %div3A_18 = vector.broadcast %div3A : f32 to vector<1x43008xf32>
    %div3A_19 = arith.divf %div3A_18, %add3A_17 : vector<1x43008xf32>
    %mul3A = arith.constant 2.000000e+00 : f32
    %mul3A_20 = vector.broadcast %mul3A : f32 to vector<1x43008xf32>
    %mul3A_21 = arith.mulf %div3A_19, %mul3A_20 : vector<1x43008xf32>
    %sub3A = arith.constant 5.000000e-01 : f32
    %sub3A_22 = vector.broadcast %sub3A : f32 to vector<1x43008xf32>
    %sub3A_23 = arith.subf %mul3A_21, %sub3A_22 : vector<1x43008xf32>
    %slice3A_24 = vector.extract_strided_slice %get3A_1 {offsets = [1, 0], sizes = [1, 43008], strides = [1, 1]} : vector<15x43008xf32> to vector<1x43008xf32>
    %neg3A_25 = arith.constant 0.000000e+00 : f32
    %neg3A_26 = vector.broadcast %neg3A_25 : f32 to vector<1x43008xf32>
    %neg3A_27 = arith.subf %neg3A_26, %slice3A_24 : vector<1x43008xf32>
    %exp3A_28 = math.exp %neg3A_27 : vector<1x43008xf32>
    %add3A_29 = arith.constant 1.000000e+00 : f32
    %add3A_30 = vector.broadcast %add3A_29 : f32 to vector<1x43008xf32>
    %add3A_31 = arith.addf %add3A_30, %exp3A_28 : vector<1x43008xf32>
    %div3A_32 = arith.constant 1.000000e+00 : f32
    %div3A_33 = vector.broadcast %div3A_32 : f32 to vector<1x43008xf32>
    %div3A_34 = arith.divf %div3A_33, %add3A_31 : vector<1x43008xf32>
    %mul3A_35 = arith.constant 2.000000e+00 : f32
    %mul3A_36 = vector.broadcast %mul3A_35 : f32 to vector<1x43008xf32>
    %mul3A_37 = arith.mulf %div3A_34, %mul3A_36 : vector<1x43008xf32>
    %sub3A_38 = arith.constant 5.000000e-01 : f32
    %sub3A_39 = vector.broadcast %sub3A_38 : f32 to vector<1x43008xf32>
    %sub3A_40 = arith.subf %mul3A_37, %sub3A_39 : vector<1x43008xf32>
    %slice3A_41 = vector.extract_strided_slice %get3A_1 {offsets = [2, 0], sizes = [1, 43008], strides = [1, 1]} : vector<15x43008xf32> to vector<1x43008xf32>
    %neg3A_42 = arith.constant 0.000000e+00 : f32
    %neg3A_43 = vector.broadcast %neg3A_42 : f32 to vector<1x43008xf32>
    %neg3A_44 = arith.subf %neg3A_43, %slice3A_41 : vector<1x43008xf32>
    %exp3A_45 = math.exp %neg3A_44 : vector<1x43008xf32>
    %add3A_46 = arith.constant 1.000000e+00 : f32
    %add3A_47 = vector.broadcast %add3A_46 : f32 to vector<1x43008xf32>
    %add3A_48 = arith.addf %add3A_47, %exp3A_45 : vector<1x43008xf32>
    %div3A_49 = arith.constant 1.000000e+00 : f32
    %div3A_50 = vector.broadcast %div3A_49 : f32 to vector<1x43008xf32>
    %div3A_51 = arith.divf %div3A_50, %add3A_48 : vector<1x43008xf32>
    %mul3A_52 = arith.constant 2.000000e+00 : f32
    %mul3A_53 = vector.broadcast %mul3A_52 : f32 to vector<1x43008xf32>
    %mul3A_54 = arith.mulf %div3A_51, %mul3A_53 : vector<1x43008xf32>
    %sub3A_55 = arith.constant 5.000000e-01 : f32
    %sub3A_56 = vector.broadcast %sub3A_55 : f32 to vector<1x43008xf32>
    %sub3A_57 = arith.subf %mul3A_54, %sub3A_56 : vector<1x43008xf32>
    %slice3A_58 = vector.extract_strided_slice %get3A_1 {offsets = [3, 0], sizes = [1, 43008], strides = [1, 1]} : vector<15x43008xf32> to vector<1x43008xf32>
    %neg3A_59 = arith.constant 0.000000e+00 : f32
    %neg3A_60 = vector.broadcast %neg3A_59 : f32 to vector<1x43008xf32>
    %neg3A_61 = arith.subf %neg3A_60, %slice3A_58 : vector<1x43008xf32>
    %exp3A_62 = math.exp %neg3A_61 : vector<1x43008xf32>
    %add3A_63 = arith.constant 1.000000e+00 : f32
    %add3A_64 = vector.broadcast %add3A_63 : f32 to vector<1x43008xf32>
    %add3A_65 = arith.addf %add3A_64, %exp3A_62 : vector<1x43008xf32>
    %div3A_66 = arith.constant 1.000000e+00 : f32
    %div3A_67 = vector.broadcast %div3A_66 : f32 to vector<1x43008xf32>
    %div3A_68 = arith.divf %div3A_67, %add3A_65 : vector<1x43008xf32>
    %mul3A_69 = arith.constant 2.000000e+00 : f32
    %mul3A_70 = vector.broadcast %mul3A_69 : f32 to vector<1x43008xf32>
    %mul3A_71 = arith.mulf %div3A_68, %mul3A_70 : vector<1x43008xf32>
    %integer_pow3A = arith.mulf %mul3A_71, %mul3A_71 : vector<1x43008xf32>
    %mul3A_72 = arith.mulf %integer_pow3A, %get3A_7 : vector<1x43008xf32>
    %slice3A_73 = vector.extract_strided_slice %get3A_4 {offsets = [0, 0], sizes = [1, 43008], strides = [1, 1]} : vector<4x43008xf32> to vector<1x43008xf32>
    %slice3A_74 = vector.extract_strided_slice %get3A_4 {offsets = [1, 0], sizes = [1, 43008], strides = [1, 1]} : vector<4x43008xf32> to vector<1x43008xf32>
    %slice3A_75 = vector.extract_strided_slice %get3A_4 {offsets = [2, 0], sizes = [1, 43008], strides = [1, 1]} : vector<4x43008xf32> to vector<1x43008xf32>
    %slice3A_76 = vector.extract_strided_slice %get3A_4 {offsets = [3, 0], sizes = [1, 43008], strides = [1, 1]} : vector<4x43008xf32> to vector<1x43008xf32>
    %add3A_77 = arith.addf %sub3A_23, %mul3A_72 : vector<1x43008xf32>
    %add3A_78 = arith.addf %slice3A_73, %slice3A_76 : vector<1x43008xf32>
    %min3A = arith.minimumf %add3A_77, %add3A_78 : vector<1x43008xf32>
    %sub3A_79 = arith.subf %sub3A_23, %mul3A_72 : vector<1x43008xf32>
    %sub3A_80 = arith.subf %slice3A_73, %slice3A_76 : vector<1x43008xf32>
    %max3A = arith.maximumf %sub3A_79, %sub3A_80 : vector<1x43008xf32>
    %sub3A_81 = arith.subf %min3A, %max3A : vector<1x43008xf32>
    %jit3A = arith.constant 0.000000e+00 : f32
    %max3A_82 = vector.broadcast %jit3A : f32 to vector<1x43008xf32>
    %max3A_83 = arith.maximumf %max3A_82, %sub3A_81 : vector<1x43008xf32>
    %add3A_84 = arith.addf %sub3A_40, %mul3A_72 : vector<1x43008xf32>
    %add3A_85 = arith.addf %slice3A_74, %slice3A_76 : vector<1x43008xf32>
    %min3A_86 = arith.minimumf %add3A_84, %add3A_85 : vector<1x43008xf32>
    %sub3A_87 = arith.subf %sub3A_40, %mul3A_72 : vector<1x43008xf32>
    %sub3A_88 = arith.subf %slice3A_74, %slice3A_76 : vector<1x43008xf32>
    %max3A_89 = arith.maximumf %sub3A_87, %sub3A_88 : vector<1x43008xf32>
    %sub3A_90 = arith.subf %min3A_86, %max3A_89 : vector<1x43008xf32>
    %jit3A_91 = arith.constant 0.000000e+00 : f32
    %max3A_92 = vector.broadcast %jit3A_91 : f32 to vector<1x43008xf32>
    %max3A_93 = arith.maximumf %max3A_92, %sub3A_90 : vector<1x43008xf32>
    %add3A_94 = arith.addf %sub3A_57, %mul3A_72 : vector<1x43008xf32>
    %add3A_95 = arith.addf %slice3A_75, %slice3A_76 : vector<1x43008xf32>
    %min3A_96 = arith.minimumf %add3A_94, %add3A_95 : vector<1x43008xf32>
    %sub3A_97 = arith.subf %sub3A_57, %mul3A_72 : vector<1x43008xf32>
    %sub3A_98 = arith.subf %slice3A_75, %slice3A_76 : vector<1x43008xf32>
    %max3A_99 = arith.maximumf %sub3A_97, %sub3A_98 : vector<1x43008xf32>
    %sub3A_100 = arith.subf %min3A_96, %max3A_99 : vector<1x43008xf32>
    %jit3A_101 = arith.constant 0.000000e+00 : f32
    %max3A_102 = vector.broadcast %jit3A_101 : f32 to vector<1x43008xf32>
    %max3A_103 = arith.maximumf %max3A_102, %sub3A_100 : vector<1x43008xf32>
    %mul3A_104 = arith.mulf %max3A_83, %max3A_93 : vector<1x43008xf32>
    %mul3A_105 = arith.mulf %mul3A_104, %max3A_103 : vector<1x43008xf32>
    %mul3A_106 = arith.constant 2.000000e+00 : f32
    %mul3A_107 = vector.broadcast %mul3A_106 : f32 to vector<1x43008xf32>
    %mul3A_108 = arith.mulf %mul3A_107, %mul3A_72 : vector<1x43008xf32>
    %integer_pow3A_109 = arith.mulf %mul3A_108, %mul3A_108 : vector<1x43008xf32>
    %integer_pow3A_110 = arith.mulf %mul3A_108, %integer_pow3A_109 : vector<1x43008xf32>
    %mul3A_111 = arith.constant 2.000000e+00 : f32
    %mul3A_112 = vector.broadcast %mul3A_111 : f32 to vector<1x43008xf32>
    %mul3A_113 = arith.mulf %mul3A_112, %slice3A_76 : vector<1x43008xf32>
    %integer_pow3A_114 = arith.mulf %mul3A_113, %mul3A_113 : vector<1x43008xf32>
    %integer_pow3A_115 = arith.mulf %mul3A_113, %integer_pow3A_114 : vector<1x43008xf32>
    %add3A_116 = arith.addf %integer_pow3A_110, %integer_pow3A_115 : vector<1x43008xf32>
    %sub3A_117 = arith.subf %add3A_116, %mul3A_105 : vector<1x43008xf32>
    %add3A_118 = arith.constant 1.000000e-07 : f32
    %add3A_119 = vector.broadcast %add3A_118 : f32 to vector<1x43008xf32>
    %add3A_120 = arith.addf %sub3A_117, %add3A_119 : vector<1x43008xf32>
    %div3A_121 = arith.divf %mul3A_105, %add3A_120 : vector<1x43008xf32>
    %add3A_122 = arith.addf %sub3A_23, %mul3A_72 : vector<1x43008xf32>
    %add3A_123 = arith.addf %slice3A_73, %slice3A_76 : vector<1x43008xf32>
    %max3A_124 = arith.maximumf %add3A_122, %add3A_123 : vector<1x43008xf32>
    %sub3A_125 = arith.subf %sub3A_23, %mul3A_72 : vector<1x43008xf32>
    %sub3A_126 = arith.subf %slice3A_73, %slice3A_76 : vector<1x43008xf32>
    %min3A_127 = arith.minimumf %sub3A_125, %sub3A_126 : vector<1x43008xf32>
    %sub3A_128 = arith.subf %max3A_124, %min3A_127 : vector<1x43008xf32>
    %add3A_129 = arith.addf %sub3A_40, %mul3A_72 : vector<1x43008xf32>
    %add3A_130 = arith.addf %slice3A_74, %slice3A_76 : vector<1x43008xf32>
    %max3A_131 = arith.maximumf %add3A_129, %add3A_130 : vector<1x43008xf32>
    %sub3A_132 = arith.subf %sub3A_40, %mul3A_72 : vector<1x43008xf32>
    %sub3A_133 = arith.subf %slice3A_74, %slice3A_76 : vector<1x43008xf32>
    %min3A_134 = arith.minimumf %sub3A_132, %sub3A_133 : vector<1x43008xf32>
    %sub3A_135 = arith.subf %max3A_131, %min3A_134 : vector<1x43008xf32>
    %add3A_136 = arith.addf %sub3A_57, %mul3A_72 : vector<1x43008xf32>
    %add3A_137 = arith.addf %slice3A_75, %slice3A_76 : vector<1x43008xf32>
    %max3A_138 = arith.maximumf %add3A_136, %add3A_137 : vector<1x43008xf32>
    %sub3A_139 = arith.subf %sub3A_57, %mul3A_72 : vector<1x43008xf32>
    %sub3A_140 = arith.subf %slice3A_75, %slice3A_76 : vector<1x43008xf32>
    %min3A_141 = arith.minimumf %sub3A_139, %sub3A_140 : vector<1x43008xf32>
    %sub3A_142 = arith.subf %max3A_138, %min3A_141 : vector<1x43008xf32>
    %integer_pow3A_143 = arith.mulf %sub3A_128, %sub3A_128 : vector<1x43008xf32>
    %integer_pow3A_144 = arith.mulf %sub3A_135, %sub3A_135 : vector<1x43008xf32>
    %add3A_145 = arith.addf %integer_pow3A_143, %integer_pow3A_144 : vector<1x43008xf32>
    %integer_pow3A_146 = arith.mulf %sub3A_142, %sub3A_142 : vector<1x43008xf32>
    %add3A_147 = arith.addf %add3A_145, %integer_pow3A_146 : vector<1x43008xf32>
    %add3A_148 = arith.constant 1.000000e-07 : f32
    %add3A_149 = vector.broadcast %add3A_148 : f32 to vector<1x43008xf32>
    %add3A_150 = arith.addf %add3A_147, %add3A_149 : vector<1x43008xf32>
    %sub3A_151 = arith.subf %sub3A_23, %slice3A_73 : vector<1x43008xf32>
    %integer_pow3A_152 = arith.mulf %sub3A_151, %sub3A_151 : vector<1x43008xf32>
    %sub3A_153 = arith.subf %sub3A_40, %slice3A_74 : vector<1x43008xf32>
    %integer_pow3A_154 = arith.mulf %sub3A_153, %sub3A_153 : vector<1x43008xf32>
    %add3A_155 = arith.addf %integer_pow3A_152, %integer_pow3A_154 : vector<1x43008xf32>
    %sub3A_156 = arith.subf %sub3A_57, %slice3A_75 : vector<1x43008xf32>
    %integer_pow3A_157 = arith.mulf %sub3A_156, %sub3A_156 : vector<1x43008xf32>
    %add3A_158 = arith.addf %add3A_155, %integer_pow3A_157 : vector<1x43008xf32>
    %mul3A_159 = arith.constant 2.000000e+00 : f32
    %mul3A_160 = vector.broadcast %mul3A_159 : f32 to vector<1x43008xf32>
    %mul3A_161 = arith.mulf %mul3A_160, %mul3A_72 : vector<1x43008xf32>
    %mul3A_162 = arith.constant 2.000000e+00 : f32
    %mul3A_163 = vector.broadcast %mul3A_162 : f32 to vector<1x43008xf32>
    %mul3A_164 = arith.mulf %mul3A_163, %slice3A_76 : vector<1x43008xf32>
    %sub3A_165 = arith.subf %mul3A_161, %mul3A_164 : vector<1x43008xf32>
    %integer_pow3A_166 = arith.mulf %sub3A_165, %sub3A_165 : vector<1x43008xf32>
    %div3A_167 = arith.divf %add3A_158, %add3A_150 : vector<1x43008xf32>
    %sub3A_168 = arith.subf %div3A_121, %div3A_167 : vector<1x43008xf32>
    %integer_pow3A_169 = arith.mulf %sub3A_128, %sub3A_128 : vector<1x43008xf32>
    %add3A_170 = arith.constant 1.000000e-07 : f32
    %add3A_171 = vector.broadcast %add3A_170 : f32 to vector<1x43008xf32>
    %add3A_172 = arith.addf %integer_pow3A_169, %add3A_171 : vector<1x43008xf32>
    %div3A_173 = arith.divf %integer_pow3A_166, %add3A_172 : vector<1x43008xf32>
    %sub3A_174 = arith.subf %sub3A_168, %div3A_173 : vector<1x43008xf32>
    %integer_pow3A_175 = arith.mulf %sub3A_135, %sub3A_135 : vector<1x43008xf32>
    %add3A_176 = arith.constant 1.000000e-07 : f32
    %add3A_177 = vector.broadcast %add3A_176 : f32 to vector<1x43008xf32>
    %add3A_178 = arith.addf %integer_pow3A_175, %add3A_177 : vector<1x43008xf32>
    %div3A_179 = arith.divf %integer_pow3A_166, %add3A_178 : vector<1x43008xf32>
    %sub3A_180 = arith.subf %sub3A_174, %div3A_179 : vector<1x43008xf32>
    %integer_pow3A_181 = arith.mulf %sub3A_142, %sub3A_142 : vector<1x43008xf32>
    %add3A_182 = arith.constant 1.000000e-07 : f32
    %add3A_183 = vector.broadcast %add3A_182 : f32 to vector<1x43008xf32>
    %add3A_184 = arith.addf %integer_pow3A_181, %add3A_183 : vector<1x43008xf32>
    %div3A_185 = arith.divf %integer_pow3A_166, %add3A_184 : vector<1x43008xf32>
    %sub3A_186 = arith.subf %sub3A_180, %div3A_185 : vector<1x43008xf32>
    %slice3A_187 = vector.extract_strided_slice %get3A_1 {offsets = [5, 0], sizes = [10, 43008], strides = [1, 1]} : vector<15x43008xf32> to vector<10x43008xf32>
    %max3A_188 = arith.constant 0.000000e+00 : f32
    %max3A_189 = vector.broadcast %max3A_188 : f32 to vector<10x43008xf32>
    %max3A_190 = arith.maximumf %slice3A_187, %max3A_189 : vector<10x43008xf32>
    %mul3A_191 = arith.mulf %slice3A_187, %get3A_10 : vector<10x43008xf32>
    %sub3A_192 = arith.subf %max3A_190, %mul3A_191 : vector<10x43008xf32>
    %abs3A = math.absf %slice3A_187 : vector<10x43008xf32>
    %neg3A_193 = arith.constant 0.000000e+00 : f32
    %neg3A_194 = vector.broadcast %neg3A_193 : f32 to vector<10x43008xf32>
    %neg3A_195 = arith.subf %neg3A_194, %abs3A : vector<10x43008xf32>
    %exp3A_196 = math.exp %neg3A_195 : vector<10x43008xf32>
    %log1p3A = math.log1p %exp3A_196 : vector<10x43008xf32>
    %add3A_197 = arith.addf %sub3A_192, %log1p3A : vector<10x43008xf32>
    %reduce_sum3A = vector.shape_cast %get3A_13 : vector<1x43008xf32> to vector<1x1x43008xf32>
    %reduce_sum3A_198 = arith.constant dense<0.000000e+00> : vector<1xf32>
    %reduce_sum3A_199 = vector.multi_reduction <add>, %reduce_sum3A, %reduce_sum3A_198 [1, 2] : vector<1x1x43008xf32> to vector<1xf32>
    %reduce_sum3A_200 = vector.shape_cast %reduce_sum3A_199 : vector<1xf32> to vector<1x1x1xf32>
    %reduce_sum3A_201 = vector.extract %reduce_sum3A_200[0, 0, 0] : f32 from vector<1x1x1xf32>
    %swap3A = arith.constant 0 : index
    %swap3A_202 = arith.constant 0 : index
    %swap3A_203 = memref.load %arg5[%swap3A, %swap3A_202] : memref<1x3xf32, #tpu.memory_space<smem>>
    memref.store %reduce_sum3A_201, %arg5[%swap3A, %swap3A_202] : memref<1x3xf32, #tpu.memory_space<smem>>
    %sub3A_204 = arith.constant 1.000000e+00 : f32
    %sub3A_205 = vector.broadcast %sub3A_204 : f32 to vector<1x43008xf32>
    %sub3A_206 = arith.subf %sub3A_205, %sub3A_186 : vector<1x43008xf32>
    %mul3A_207 = arith.mulf %get3A_13, %sub3A_206 : vector<1x43008xf32>
    %reduce_sum3A_208 = vector.shape_cast %mul3A_207 : vector<1x43008xf32> to vector<1x1x43008xf32>
    %reduce_sum3A_209 = arith.constant dense<0.000000e+00> : vector<1xf32>
    %reduce_sum3A_210 = vector.multi_reduction <add>, %reduce_sum3A_208, %reduce_sum3A_209 [1, 2] : vector<1x1x43008xf32> to vector<1xf32>
    %reduce_sum3A_211 = vector.shape_cast %reduce_sum3A_210 : vector<1xf32> to vector<1x1x1xf32>
    %reduce_sum3A_212 = vector.extract %reduce_sum3A_211[0, 0, 0] : f32 from vector<1x1x1xf32>
    %swap3A_213 = arith.constant 0 : index
    %swap3A_214 = arith.constant 1 : index
    %swap3A_215 = memref.load %arg5[%swap3A_213, %swap3A_214] : memref<1x3xf32, #tpu.memory_space<smem>>
    memref.store %reduce_sum3A_212, %arg5[%swap3A_213, %swap3A_214] : memref<1x3xf32, #tpu.memory_space<smem>>
    %mul3A_216 = vector.broadcast %get3A_13 : vector<1x43008xf32> to vector<10x43008xf32>
    %mul3A_217 = arith.mulf %mul3A_216, %add3A_197 : vector<10x43008xf32>
    %reduce_sum3A_218 = vector.shape_cast %mul3A_217 : vector<10x43008xf32> to vector<1x10x43008xf32>
    %reduce_sum3A_219 = arith.constant dense<0.000000e+00> : vector<1xf32>
    %reduce_sum3A_220 = vector.multi_reduction <add>, %reduce_sum3A_218, %reduce_sum3A_219 [1, 2] : vector<1x10x43008xf32> to vector<1xf32>
    %reduce_sum3A_221 = vector.shape_cast %reduce_sum3A_220 : vector<1xf32> to vector<1x1x1xf32>
    %reduce_sum3A_222 = vector.extract %reduce_sum3A_221[0, 0, 0] : f32 from vector<1x1x1xf32>
    %swap3A_223 = arith.constant 0 : index
    %swap3A_224 = arith.constant 2 : index
    %swap3A_225 = memref.load %arg5[%swap3A_223, %swap3A_224] : memref<1x3xf32, #tpu.memory_space<smem>>
    memref.store %reduce_sum3A_222, %arg5[%swap3A_223, %swap3A_224] : memref<1x3xf32, #tpu.memory_space<smem>>
    return
  }
}

</mosaic_0001>

<sc_bundles>
// kernel: gather_offload_async_start
scs
__scs_entry_jumppad:
0x0: {  	(pc) =	sbr.rel $0x88, $3  }
0x1: {  	(tag) =	ssettag $0x0;
	lr =	simm.s32 $0x1  }
0x2: {  	[smem:$0x3F9E] =	sst lr;
	_ =	strace $0xD0000000  }
0x3: {  	_ = 	snop  }
0x4: {  	_ = 	snop  }
0x5: {  	_ = 	snop  }
0x6: {  	_ = 	snop  }
0x7: {  	_ = 	snop  }
__scs_overlays_trampoline_lowered:
0x8: {  	[smem:$0x3FAD] =	sst s0  }
0x9: {  	[smem:$0x3FAE] =	sst s1  }
0xa: {  	[smem:$0x3FAF] =	sst s2  }
0xb: {  	[smem:$0x3FB0] =	sst s3  }
0xc: {  	[smem:$0x3FB1] =	sst s4  }
0xd: {  	[smem:$0x3FB2] =	sst s5  }
0xe: {  	[smem:$0x3FB3] =	sst s6  }
0xf: {  	[smem:$0x3FB4] =	sst s7  }
0x10: {  	[smem:$0x3FB5] =	sst s8  }
0x11: {  	[smem:$0x3FB6] =	sst s9;
	s0 =	simm.s32 @!p0 $0x0  }
0x12: {  	s1 =	sld [smem:$0x3F9C];
	s0 =	simm.s32 @p0 $0x1  }
0x13: {  	[smem:$0x3FB7] =	sst s0;
	s0 =	simm.s32 @!p1 $0x0  }
0x14: {  	s2 =	sld [smem:$0x3F9B];
	s0 =	simm.s32 @p1 $0x1  }
0x15: {  	[smem:$0x3FB8] =	sst s0;
	s0 =	simm.s32 @!p2 $0x0  }
0x16: {  	s3 =	sld [smem:$0x3FDB];
	s0 =	simm.s32 @p2 $0x1  }
0x17: {  	s4 =	simm.s32 $0x1BF5;
	[smem:$0x3FBA] =	sst s0  }
0x18: {  	s0 =	sld [smem:$0x3F9D];
	_ =	swait.ge [sflag:s4], $0x0  }
0x19: {  	s7 =	sld [smem:$0x3F9E]  }
0x1a: {  	s8 =	sadd.s32 $0xFFFFE003, lr  }
0x1b: {  	s9 =	sadd.s32 $0xFFFFFEF7, lr;
	s5 =	simm.s32 $0xFFFFFFFF;
	p2 =	slt.u32 s8, $0xFFFFF086  }
0x1c: {  	p1 =	slt.u32 s9, $0xF7A;
	s5 =	simm.s32 @!p2 $0x0  }
0x1d: {  	s5 =	simm.s32 @p1 $0x1;
	p0 =	seq.s32 s7, s2  }
0x1e: {  	s7 =	smul.u32 @!p0 $0xF7A, s2;
	p2 =	seq.s32 @!p0 s5, $0x0  }
0x1f: {  	s9 =	smul.u32 $0xF7A, s1;
	s8 =	simm.s32 @!p0 $0x1BF5;
	p2 =	por !p2, p0  }
0x20: {  	[sflag:s8] =	ssyncset.s32 @!p0 $0xFFFFF086;
	s6 =	sadd.s32 @!p0 s3, s7;
	s7 =	simm.s32 @!p0 $0x108  }
0x21: {  	s3 =	sadd.s32 s3, s9;
	s6 =	sadd.s32 @!p0 $0x88, s6;
	s7 =	simm.s32 @p2 $0x1082  }
0x22: {  	[simem:s7], [sflag:s8] =	dma.local @!p0 [hbm:s6], $0xF7A  }
0x23: {  	s9 =	sor.u32 $0xD0000000, s2;
	s6 =	simm.s32 $0x108;
	_ =	swait.ge @!p0 [sflag:s8], $0x0  }
0x24: {  	s3 =	sadd.s32 $0x88, s3;
	s6 =	simm.s32 @!p1 $0x1082;
	[sflag:s4] =	ssyncset.s32 $0xFFFFF086  }
0x25: {  	[simem:s6], [sflag:s4] =	dma.local [hbm:s3], $0xF7A  }
0x26: {  	[smem:$0x3F9E] =	sst s1;
	(tag) =	ssettag s2;
	_ =	strace s9  }
0x27: {  	s1 =	sld [smem:$0x3FAE]  }
0x28: {  	s2 =	sld [smem:$0x3FAF]  }
0x29: {  	s4 =	sld [smem:$0x3FB1]  }
0x2a: {  	p0 =	seq.s32 s5, $0x0;
	s5 =	sld [smem:$0x3FB2]  }
0x2b: {  	s6 =	sld [smem:$0x3FB3]  }
0x2c: {  	s7 =	sld [smem:$0x3FB4]  }
0x2d: {  	s3 =	simm.s32 $0x108;
	s8 =	sld [smem:$0x3FB5]  }
0x2e: {  	s3 =	simm.s32 @!p0 $0x1082;
	s9 =	sld [smem:$0x3FB6]  }
0x2f: {  	lr =	sadd.s32 s0, s3;
	s0 =	sld [smem:$0x3FAD]  }
0x30: {  	s3 =	sld [smem:$0x3FB0]  }
0x31: {  	[smem:$0x3FB9] =	sst s10  }
0x32: {  	s10 =	sld [smem:$0x3FB7];
	_ =	sdelay $0x3  }
0x33: {  	p0 =	seq.s32 s10, $0x1;
	s10 =	sld [smem:$0x3FB9];
	_ =	sdelay $0x3  }
0x34: {  	[smem:$0x3FB9] =	sst s10  }
0x35: {  	s10 =	sld [smem:$0x3FB8];
	_ =	sdelay $0x3  }
0x36: {  	p1 =	seq.s32 s10, $0x1;
	s10 =	sld [smem:$0x3FB9];
	_ =	sdelay $0x3  }
0x37: {  	[smem:$0x3FB9] =	sst s10  }
0x38: {  	s10 =	sld [smem:$0x3FBA]  }
0x39: {  	_ = 	snop;
	(pc) =	sbr.ind lr, $3  }
0x3a: {  	_ = 	snop  }
0x3b: {  	_ = 	snop  }
0x3c: {  	p2 =	seq.s32 s10, $0x1;
	s10 =	sld [smem:$0x3FB9]  }
0x3d: {  	_ =	shalt  }
0x3e: {  	_ =	shalt  }
0x3f: {  	_ =	shalt  }
0x40: {  	_ =	shalt  }
0x41: {  	_ =	shalt  }
0x42: {  	_ =	shalt  }
0x43: {  	_ =	shalt  }
0x44: {  	_ =	shalt  }
0x45: {  	_ =	shalt  }
0x46: {  	_ =	shalt  }
0x47: {  	_ =	shalt  }
0x48: {  	_ =	shalt  }
0x49: {  	_ =	shalt  }
0x4a: {  	_ =	shalt  }
0x4b: {  	_ =	shalt  }
0x4c: {  	_ =	shalt  }
0x4d: {  	_ =	shalt  }
0x4e: {  	_ =	shalt  }
0x4f: {  	_ =	shalt  }
0x50: {  	_ =	shalt  }
0x51: {  	_ =	shalt  }
0x52: {  	_ =	shalt  }
0x53: {  	_ =	shalt  }
0x54: {  	_ =	shalt  }
0x55: {  	_ =	shalt  }
0x56: {  	_ =	shalt  }
0x57: {  	_ =	shalt  }
0x58: {  	_ =	shalt  }
0x59: {  	_ =	shalt  }
0x5a: {  	_ =	shalt  }
0x5b: {  	_ =	shalt  }
0x5c: {  	_ =	shalt  }
0x5d: {  	_ =	shalt  }
0x5e: {  	_ =	shalt  }
0x5f: {  	_ =	shalt  }
0x60: {  	_ =	shalt  }
0x61: {  	_ =	shalt  }
0x62: {  	_ =	shalt  }
0x63: {  	_ =	shalt  }
0x64: {  	_ =	shalt  }
0x65: {  	_ =	shalt  }
0x66: {  	_ =	shalt  }
0x67: {  	_ =	shalt  }
0x68: {  	_ =	shalt  }
0x69: {  	_ =	shalt  }
0x6a: {  	_ =	shalt  }
0x6b: {  	_ =	shalt  }
0x6c: {  	_ =	shalt  }
0x6d: {  	_ =	shalt  }
0x6e: {  	_ =	shalt  }
0x6f: {  	_ =	shalt  }
0x70: {  	_ =	shalt  }
0x71: {  	_ =	shalt  }
0x72: {  	_ =	shalt  }
0x73: {  	_ =	shalt  }
0x74: {  	_ =	shalt  }
0x75: {  	_ =	shalt  }
0x76: {  	_ =	shalt  }
0x77: {  	_ =	shalt  }
0x78: {  	_ =	shalt  }
0x79: {  	_ =	shalt  }
0x7a: {  	_ =	shalt  }
0x7b: {  	_ =	shalt  }
0x7c: {  	_ =	shalt  }
0x7d: {  	_ =	shalt  }
0x7e: {  	_ =	shalt  }
0x7f: {  	_ =	shalt  }
0x80: {  	_ =	shalt  }
0x81: {  	_ =	shalt  }
0x82: {  	_ =	shalt  }
0x83: {  	_ =	shalt  }
0x84: {  	_ =	shalt  }
0x85: {  	_ =	shalt  }
0x86: {  	_ =	shalt  }
0x87: {  	_ =	shalt  }
.Lfunc_end0:
.L_simem_size_0:
called_computation_lowered:
.L_overlay_start_0:
0x88: {  	s2 =	sld [smem:$0x3FD9]  }
0x89: {  	s3 =	sld [smem:$0x3FFE];
	_ =	sdelay $0x1  }
0x8a: {  	s1 =	srdreg.scid  }
0x8b: {  	s0 =	sand.u32 $0x1, s1  }
0x8c: {  	s16 =	sshll.u32 s0, $0xA;
	s2 =	sadd.s32 s3, s2  }
0x8d: {  	s2 =	sadd.s32 s2, s16  }
0x8e: {  	[smem:$0x3FC5] =	sst s2  }
0x8f: {  	_ = 	snop  }
0x90: {  	(tm) =	ssettm $0x1  }
0x91: {  	s17 =	sld [smem:$0x3FFB];
	_ =	sdelay $0x3  }
0x92: {  	_ =	strace s17  }
0x93: {  	s2 =	sld [smem:$0x3FFC];
	_ =	sdelay $0x3  }
0x94: {  	_ =	strace s2  }
0x95: {  	s2 =	sld [smem:$0x3FFD];
	_ =	sdelay $0x3  }
0x96: {  	_ =	strace s2  }
0x97: {  	_ =	strace $0x8FFFFFFF  }
0x98: {  	s18 =	sld [smem:$0x3FDB];
	_ =	sdelay $0x1  }
0x99: {  	s19 =	simm.s32 $_scs_section_size  }
0x9a: {  	s4 =	simm.s32 $_size__tile_overlayer_lowered;
	s5 =	simm.s32 $_tile_overlayer_lowered  }
0x9b: {  	s22 =	simm.s32 $0x1BFF;
	s21 =	sshll.u32 s5, $0x1;
	s2 =	sadd.s32 s19, s18  }
0x9c: {  	s6 =	simm.s32 $0x0;
	s20 =	sshll.u32 s4, $0x1;
	s4 =	sadd.s32 s21, s2  }
0x9d: {  	[timem:s6], [sflag:s22] =	dma.local [hbm:s4], s20  }
0x9e: {  	_ =	swait.ge [sflag:s22], s20  }
0x9f: {  	s3 =	ssub.s32 $0x0, s20;
	[sflag:s22] =	ssyncset.done $0x0  }
0xa0: {  	[sflag:s22] =	ssyncadd.s32 s3;
	_ =	sdelay $0x1  }
0xa1: {  	s23 =	simm.s32 $0x1B8B  }
0xa2: {  	_ =	swait.ge [sflag:s23], $0x1  }
0xa3: {  	[sflag:s23] =	ssyncset.done $0x0  }
0xa4: {  	s25 =	simm.s32 $0x1B8E;
	s24 =	sld [smem:$0x3FFE];
	[sflag:s23] =	ssyncadd.s32 $0xFFFFFFFF  }
0xa5: {  	s26 =	simm.s32 $execute0_lowered;
	[smem:$0x3FD2] =	sst s25  }
0xa6: {  	s4 =	sshll.u32 s26, $0x1;
	_ =	strace $0x80000046;
	[dreg:$0x1] =	wrdreg $0xFFFFFFFF  }
0xa7: {  	s28 =	simm.s32 $_size_execute0_lowered;
	s2 =	sadd.s32 s2, s4;
	[dreg:$0x0] =	wrdreg $0x0  }
0xa8: {  	s4 =	sshll.u32 s28, $0x1;
	[dreg:$0x2] =	wrdreg s2  }
0xa9: {  	[dreg:$0x3] =	wrdreg s4  }
0xaa: {  	[dreg:$0x4] =	wrdreg $0xC0  }
0xab: {  	_ =	task [dreg:s6], $0x5FFFF  }
0xac: {  	[dreg:$0x1] =	wrdreg $0xFFFFFFFF  }
0xad: {  	[dreg:$0x0] =	wrdreg $0x60  }
0xae: {  	[dreg:$0x2] =	wrdreg s24  }
0xaf: {  	[dreg:$0x3] =	wrdreg $0x9  }
0xb0: {  	_ =	task.clear_ibuf [dreg:s6], $0x4FFFF;
	_ =	strace $0x90000046  }
0xb1: {  	s29 =	simm.s32 $0x9;
	_ =	strace $0x80000048  }
0xb2: {  	_ =	swait.ge [sflag:s29], $0x1  }
0xb3: {  	[sflag:s29] =	ssyncadd.s32 $0xFFFFFFFF  }
0xb4: {  	_ =	strace $0x90000048  }
0xb5: {  	_ =	sfence  }
0xb6: {  	s30 =	sld [smem:$0x0];
	_ =	sdelay $0x2  }
0xb7: {  	s31 =	sshll.u32 s1, $0xD;
	s1 =	sshrl.u32 s1, $0x2  }
0xb8: {  	s3 =	sand.u32 $0x4000, s31;
	s1 =	sadd.s32 s1, s30  }
0xb9: {  	s0 =	sor.u32 s3, s0;
	s1 =	sshll.u32 s1, $0x11  }
0xba: {  	s0 =	sor.u32 s1, s0  }
0xbb: {  	s0 =	sadd.s32 $0x8F2B, s0  }
0xbc: {  	[sflag:s0] =	ssyncadd.remote.s32 $0x1  }
0xbd: {  	_ =	sfence.sel $0xFFFF  }
0xbe: {  	[dreg:$0x0] =	wrdreg $0xFFFFFFFF;
	(pc) =	sbr.abs _section_cstart, $3  }
0xbf: {  	[dreg:$0x1] =	wrdreg $0xFFFFFFFF  }
0xc0: {  	_ =	task.clear_ibuf [dreg:s6], $0x2FFFF;
	_ =	strace $0x9FFFFFFF  }
0xc1: {  	(tm) =	ssettm $0x7FFFFFFF  }
tec
execute0_lowered:
.L_overlay_start_1:
0x0: {  	(tag) =	ssettag $0x1  }
0x1: {  	s0 =	srdreg.scid  }
0x2: {  	s9 =	rddreg [dreg:$0x0];
	s1 =	stileid.u32  }
0x3: {  	s5 =	simm.s32 $0x1;
	s6 =	simm.s32 $0x2;
	s10 =	simm.s32 $0x3  }
0x4: {  	s14 =	simm.s32 $0x0;
	s13 =	simm.s32 $0x0;
	s2 =	sshll.u32 s0, $0xA  }
0x5: {  	s0 =	rddreg [dreg:$0x1];
	s3 =	sshll.u32 s1, $0xB;
	s4 =	sand.u32 $0x400, s2  }
0x6: {  	_ =	strace $0x80000047;
	s2 =	sadd.s32 $0xF4800, s9;
	s3 =	sor.u32 s3, s4  }
0x7: {  	[sflag:s5] =	ssyncpa.u1 $0x0;
	s4 =	sadd.s32 $0x18A00, s9;
	s7 =	ssub.s32 $0xA800, s3  }
.Ltmp0:
0x8: {  	[sflag:s6] =	ssyncpa.u1 $0x0;
	s8 =	sand.u32 $0x7C00, s7;
	(pc) =	sbr.rel .LBB2_1-.Ltmp0, $4  }
0x9: {  	[sflag:s10] =	ssyncpa.u1 $0x0;
	p0 =	sne.s32 s8, $0x0;
	s8 =	simm.s32 $0x1  }
0xa: {  	s12 =	smov.u32 s3;
	s11 =	sshrl.u32 s7, $0xF;
	s8 =	simm.s32 @!p0 $0x0  }
0xb: {  	s7 =	sadd.s32 $0xE7B200, s9;
	s9 =	sadd.s32 $0xE85A00, s9;
	s8 =	sadd.s32 s8, s11  }
0xc: {  	vm0 =	vmmov $0xffff;
	v0 =	vlaneseq.u32;
	p0 =	por $0x0, $0x0;
	s11 =	simm.s32 $0x0;
	s10 =	sadd.s32 $0x1, s8  }
.LBB2_4:
0xd: {  	_ =	sdelay $0x2  }
0xe: {  	(ifvalue) =	ssetifvalue $0x7FFFFFFF  }
0xf: {  	[tilespmem:s21], [sflag:$0x1] =	stream.indirect_vreg.gather [hbm4b:s2+s11], $0x1, v1, vm0, $0x4038;
	[tilespmem:$0x8800] =	vst v63  }
0x10: {  	s15 =	sshll.u32 s14, $0x3  }
0x11: {  	s29 =	sand.u32 $0x78, s14;
	s15 =	sand.u32 $0xFFFFFC00, s15  }
0x12: {  	_ =	swait.ge [sflag:s5], $0x4000;
	s14 =	sor.u32 s29, s15  }
0x13: {  	[sflag:s5] =	ssyncset.done $0x0;
	s14 =	sshrl.u32 s14, $0x3  }
0x14: {  	[sflag:s5] =	ssyncadd.s32 $0xFFFFC000;
	s30 =	sadd.s32 s7, s14  }
0x15: {  	[hbm:s30] =	stream.linear.scatter [tilespmem:s17], [sflag:$0x3], $0x2000, $0x38;
	[tilespmem:$0x8800] =	vst v63  }
0x16: {  	s31 =	sadd.s32 $0x2800, s16;
	s14 =	sadd.s32 s14, s9  }
0x17: {  	[hbm:s14] =	stream.linear.scatter [tilespmem:s31], [sflag:$0x3], $0x2000, $0x38;
	[tilespmem:$0x8800] =	vst v63  }
.LBB2_5:
0x18: {  	s16 =	sadd.s32 $0x8000, s12  }
0x19: {  	p2 =	sgt.s32 s16, $0xA7FF  }
0x1a: {  	s16 =	smov.u32 @p2 s3;
	p2 =	sne.s32 s13, s10  }
.Ltmp1:
0x1b: {  	p1 =	slt.u32 s13, $0x2;
	(pc) =	sbr.rel @!p2 .LBB2_6-.Ltmp1, $4  }
0x1c: {  	s15 =	simm.s32 @!p1 $0x3  }
0x1d: {  	s17 =	sadd.s32 $0x1, s13;
	_ =	swait.ge @!p1 [sflag:s15], $0x4000  }
0x1e: {  	s14 =	smov.u32 s12;
	p0 =	por !p0, !p0;
	[sflag:s15] =	ssyncset.done @!p1 $0x0  }
0x1f: {  	s13 =	smov.u32 s17;
	s12 =	smov.u32 s16;
	[sflag:s15] =	ssyncadd.s32 @!p1 $0xFFFFC000  }
.LBB2_1:
0x20: {  	p1 =	sge.u32 s13, s8  }
0x21: {  	s15 =	sxor.u32 @!p1 $0xFFFFFFFF, s13  }
0x22: {  	s31 =	sadd.s32 $0xFFFFFFFF, s13;
	s16 =	sshrl.u32 @!p1 s12, $0x3;
	s15 =	sshll.u32 @!p1 s15, $0xA  }
0x23: {  	s17 =	sand.u32 @!p1 $0x7, s12;
	s16 =	sadd.s32 @!p1 s4, s16;
	s15 =	sand.u32 @!p1 $0x400, s15  }
0x24: {  	[tilespmem:s15], [sflag:$0x2] =	stream.linear.gather @!p1 [hbm4b:s16+s17], $0x400, $0x38;
	[tilespmem:$0x8800] =	vst v63  }
0x25: {  	p1 =	sge.u32 s31, s8  }
.Ltmp2:
0x26: {  	_ = 	snop;
	(pc) =	sbr.rel @p1 .LBB2_5-.Ltmp2, $1  }
0x27: {  	_ =	sdelay $0x3  }
0x28: {  	s15 =	simm.s32 $0x1;
	_ =	swait.ge [sflag:s6], $0x400  }
0x29: {  	s15 =	simm.s32 @!p0 $0x0;
	[sflag:s6] =	ssyncset.done $0x0  }
0x2a: {  	s15 =	sshll.u32 s15, $0xA;
	[sflag:s6] =	ssyncadd.s32 $0xFFFFFC00  }
0x2b: {  	v1 =	vld.msk [tilespmem:s15+$0x0 ss:$0x1], $0xffff;
	_ =	sdelay $0x4  }
0x2c: {  	v2 =	vand.u32 $0x7, v1;
	v3 =	vshrl.u32 v1, $0x3  }
0x2d: {  	s20 =	ssub.s32 $0xA800, s14;
	v4 =	vshrl.u32 v1, $0x5;
	v3 =	vand.u32 $0x3, v3;
	v2 =	vmul.u32 $0xD80000, v2  }
0x2e: {  	p1 =	slt.s32 s20, $0x400;
	v5 =	vand.u32 $0x1F800, v1;
	v4 =	vand.u32 $0x3F, v4;
	v3 =	vmul.u32 $0x480000, v3  }
0x2f: {  	s20 =	simm.s32 @!p1 $0x400;
	v6 =	vshrl.u32 v1, $0x11;
	v4 =	vmul.u32 $0x18000, v4;
	v2 =	vor.u32 v5, v2  }
0x30: {  	p1 =	sgt.s32 s20, $0x0;
	s16 =	smov.u32 s20;
	vm1 =	veq.s32 v1, $0x80000000;
	v1 =	vand.u32 $0x3F, v6;
	v2 =	vadd.s32 v3, v2  }
0x31: {  	s16 =	simm.s32 @!p1 $0x0;
	v1 =	vsel vm1, $0xFFFFFFFF, v1;
	v2 =	vadd.s32 v4, v2  }
0x32: {  	s16 =	smin.u32 s16, $0x10;
	v3 =	vand.u32 $0xFFFFFC00, v1;
	v2 =	vsel vm1, $0xFEDE7800, v2  }
0x33: {  	v50 =	vmov s16;
	v1 =	vand.u32 $0x7F, v1;
	v2 =	vadd.s32 v3, v2  }
0x34: {  	vm1 =	vgt.u32 v50, v0;
	v1 =	vor.u32 v1, v2  }
0x35: {  	s25 =	sshll.u32 s13, $0xE;
	v2 =	vnsel vm1, $0x7FFFFFFF, v1  }
0x36: {  	s18 =	simm.s32 $0x0;
	s16 =	sand.u32 $0x4000, s25  }
0x37: {  	s19 =	sand.u32 $0x1C00, s18;
	s17 =	sor.u32 $0x800, s16;
	v3 =	vadd.s32 $0x80, v1  }
0x38: {  	s21 =	sand.u32 $0x70, s18;
	(ifvalue) =	ssetifvalue $0x7FFFFFFF;
	s19 =	sadd.s32 s19, s17;
	v3 =	vnsel vm1, $0x7FFFFFFF, v3  }
0x39: {  	(ifvalue) =	ssetifvalue $0x7FFFFFFF;
	s21 =	sadd.s32 s21, s19  }
0x3a: {  	v51 =	vadd.s32 $0x100, v1;
	[tilespmem:s21], [sflag:$0x1] =	stream.indirect_vreg.gather [hbm4b:s2+s11], $0x1, v2, vm0, $0x4038;
	[tilespmem:$0x8800] =	vst v63  }
0x3b: {  	v2 =	vnsel vm1, $0x7FFFFFFF, v51;
	(ifvalue) =	ssetifvalue $0x7FFFFFFF  }
0x3c: {  	s19 =	sadd.s32 $0x80, s21;
	(ifvalue) =	ssetifvalue $0x7FFFFFFF  }
0x3d: {  	v52 =	vadd.s32 $0x180, v1;
	[tilespmem:s19], [sflag:$0x1] =	stream.indirect_vreg.gather [hbm4b:s2+s11], $0x1, v3, vm0, $0x4038;
	[tilespmem:$0x8800] =	vst v63  }
0x3e: {  	v3 =	vnsel vm1, $0x7FFFFFFF, v52;
	(ifvalue) =	ssetifvalue $0x7FFFFFFF  }
0x3f: {  	s26 =	sadd.s32 $0x100, s21;
	(ifvalue) =	ssetifvalue $0x7FFFFFFF  }
0x40: {  	v53 =	vadd.s32 $0x200, v1;
	[tilespmem:s26], [sflag:$0x1] =	stream.indirect_vreg.gather [hbm4b:s2+s11], $0x1, v2, vm0, $0x4038;
	[tilespmem:$0x8800] =	vst v63  }
0x41: {  	v2 =	vnsel vm1, $0x7FFFFFFF, v53;
	(ifvalue) =	ssetifvalue $0x7FFFFFFF  }
0x42: {  	s28 =	sadd.s32 $0x180, s21;
	(ifvalue) =	ssetifvalue $0x7FFFFFFF  }
0x43: {  	v54 =	vadd.s32 $0x280, v1;
	[tilespmem:s28], [sflag:$0x1] =	stream.indirect_vreg.gather [hbm4b:s2+s11], $0x1, v3, vm0, $0x4038;
	[tilespmem:$0x8800] =	vst v63  }
0x44: {  	v3 =	vnsel vm1, $0x7FFFFFFF, v54;
	(ifvalue) =	ssetifvalue $0x7FFFFFFF  }
0x45: {  	s29 =	sadd.s32 $0x200, s21;
	(ifvalue) =	ssetifvalue $0x7FFFFFFF  }
0x46: {  	v55 =	vadd.s32 $0x300, v1;
	[tilespmem:s29], [sflag:$0x1] =	stream.indirect_vreg.gather [hbm4b:s2+s11], $0x1, v2, vm0, $0x4038;
	[tilespmem:$0x8800] =	vst v63  }
0x47: {  	v2 =	vnsel vm1, $0x7FFFFFFF, v55;
	(ifvalue) =	ssetifvalue $0x7FFFFFFF  }
0x48: {  	s30 =	sadd.s32 $0x280, s21;
	(ifvalue) =	ssetifvalue $0x7FFFFFFF  }
0x49: {  	v56 =	vadd.s32 $0x380, v1;
	[tilespmem:s30], [sflag:$0x1] =	stream.indirect_vreg.gather [hbm4b:s2+s11], $0x1, v3, vm0, $0x4038;
	[tilespmem:$0x8800] =	vst v63  }
0x4a: {  	v3 =	vnsel vm1, $0x7FFFFFFF, v56;
	(ifvalue) =	ssetifvalue $0x7FFFFFFF  }
0x4b: {  	s22 =	sor.u32 s18, s18;
	s31 =	sadd.s32 $0x300, s21;
	(ifvalue) =	ssetifvalue $0x7FFFFFFF  }
0x4c: {  	v57 =	vadd.s32 $0x400, v1;
	[tilespmem:s31], [sflag:$0x1] =	stream.indirect_vreg.gather [hbm4b:s2+s11], $0x1, v2, vm0, $0x4038;
	[tilespmem:$0x8800] =	vst v63  }
0x4d: {  	s23 =	sor.u32 $0x380, s22;
	v2 =	vnsel vm1, $0x7FFFFFFF, v57;
	(ifvalue) =	ssetifvalue $0x7FFFFFFF  }
0x4e: {  	s19 =	sadd.s32 s23, s17;
	(ifvalue) =	ssetifvalue $0x7FFFFFFF  }
0x4f: {  	v58 =	vadd.s32 $0x480, v1;
	[tilespmem:s19], [sflag:$0x1] =	stream.indirect_vreg.gather [hbm4b:s2+s11], $0x1, v3, vm0, $0x4038;
	[tilespmem:$0x8800] =	vst v63  }
0x50: {  	v3 =	vnsel vm1, $0x7FFFFFFF, v58;
	(ifvalue) =	ssetifvalue $0x7FFFFFFF  }
0x51: {  	s24 =	sadd.s32 $0x2000, s21;
	(ifvalue) =	ssetifvalue $0x7FFFFFFF  }
0x52: {  	v59 =	vadd.s32 $0x500, v1;
	[tilespmem:s24], [sflag:$0x1] =	stream.indirect_vreg.gather [hbm4b:s2+s11], $0x1, v2, vm0, $0x4038;
	[tilespmem:$0x8800] =	vst v63  }
0x53: {  	v2 =	vnsel vm1, $0x7FFFFFFF, v59;
	(ifvalue) =	ssetifvalue $0x7FFFFFFF  }
0x54: {  	s25 =	sadd.s32 $0x2080, s21;
	(ifvalue) =	ssetifvalue $0x7FFFFFFF  }
0x55: {  	v60 =	vadd.s32 $0x580, v1;
	[tilespmem:s25], [sflag:$0x1] =	stream.indirect_vreg.gather [hbm4b:s2+s11], $0x1, v3, vm0, $0x4038;
	[tilespmem:$0x8800] =	vst v63  }
0x56: {  	v3 =	vnsel vm1, $0x7FFFFFFF, v60;
	(ifvalue) =	ssetifvalue $0x7FFFFFFF  }
0x57: {  	s26 =	sadd.s32 $0x2100, s21;
	(ifvalue) =	ssetifvalue $0x7FFFFFFF  }
0x58: {  	v61 =	vadd.s32 $0x600, v1;
	[tilespmem:s26], [sflag:$0x1] =	stream.indirect_vreg.gather [hbm4b:s2+s11], $0x1, v2, vm0, $0x4038;
	[tilespmem:$0x8800] =	vst v63  }
0x59: {  	v2 =	vnsel vm1, $0x7FFFFFFF, v61;
	(ifvalue) =	ssetifvalue $0x7FFFFFFF  }
0x5a: {  	s28 =	sadd.s32 $0x2180, s21;
	(ifvalue) =	ssetifvalue $0x7FFFFFFF  }
0x5b: {  	v62 =	vadd.s32 $0x680, v1;
	[tilespmem:s28], [sflag:$0x1] =	stream.indirect_vreg.gather [hbm4b:s2+s11], $0x1, v3, vm0, $0x4038;
	[tilespmem:$0x8800] =	vst v63  }
0x5c: {  	v3 =	vnsel vm1, $0x7FFFFFFF, v62;
	(ifvalue) =	ssetifvalue $0x7FFFFFFF  }
0x5d: {  	s29 =	sadd.s32 $0x2200, s21;
	(ifvalue) =	ssetifvalue $0x7FFFFFFF  }
0x5e: {  	v63 =	vadd.s32 $0x700, v1;
	[tilespmem:s29], [sflag:$0x1] =	stream.indirect_vreg.gather [hbm4b:s2+s11], $0x1, v2, vm0, $0x4038;
	[tilespmem:$0x8800] =	vst v63  }
0x5f: {  	v2 =	vnsel vm1, $0x7FFFFFFF, v63;
	(ifvalue) =	ssetifvalue $0x7FFFFFFF  }
0x60: {  	s30 =	sadd.s32 $0x2280, s21;
	(ifvalue) =	ssetifvalue $0x7FFFFFFF  }
0x61: {  	v1 =	vadd.s32 $0x780, v1;
	[tilespmem:s30], [sflag:$0x1] =	stream.indirect_vreg.gather [hbm4b:s2+s11], $0x1, v3, vm0, $0x4038;
	[tilespmem:$0x8800] =	vst v63  }
0x62: {  	v1 =	vnsel vm1, $0x7FFFFFFF, v1;
	(ifvalue) =	ssetifvalue $0x7FFFFFFF  }
0x63: {  	s20 =	sadd.s32 $0xFFFFFFF0, s20;
	s31 =	sadd.s32 $0x2300, s21;
	(ifvalue) =	ssetifvalue $0x7FFFFFFF  }
0x64: {  	[tilespmem:s31], [sflag:$0x1] =	stream.indirect_vreg.gather [hbm4b:s2+s11], $0x1, v2, vm0, $0x4038;
	[tilespmem:$0x8800] =	vst v63  }
0x65: {  	s21 =	sadd.s32 $0x2380, s21;
	s19 =	simm.s32 $0x80;
	(ifvalue) =	ssetifvalue $0x7FFFFFFF  }
.LBB2_3:
0x66: {  	(ifvalue) =	ssetifvalue $0x7FFFFFFF;
	s18 =	sadd.s32 $0x10, s18;
	s15 =	sadd.s32 $0x10, s15  }
0x67: {  	[tilespmem:s21], [sflag:$0x1] =	stream.indirect_vreg.gather [hbm4b:s2+s11], $0x1, v1, vm0, $0x4038;
	[tilespmem:$0x8800] =	vst v63  }
0x68: {  	p1 =	sne.s32 s19, $0x1F80;
	s22 =	smov.u32 s19;
	s19 =	sadd.s32 $0x80, s19;
	v1 =	vld.msk [tilespmem:s15+$0x0 ss:$0x1], $0xffff  }
0x69: {  	(ifvalue) =	ssetifvalue $0x7FFFFFFF;
	_ =	sdelay $0x4  }
0x6a: {  	v2 =	vand.u32 $0x7, v1;
	v3 =	vshrl.u32 v1, $0x3;
	v4 =	vshrl.u32 v1, $0x11  }
0x6b: {  	v5 =	vshrl.u32 v1, $0x5;
	v3 =	vand.u32 $0x3, v3;
	v2 =	vmul.u32 $0xD80000, v2  }
0x6c: {  	vm1 =	veq.s32 v1, $0x80000000;
	v1 =	vand.u32 $0x1F800, v1;
	v5 =	vand.u32 $0x3F, v5  }
0x6d: {  	v4 =	vand.u32 $0x3F, v4;
	v3 =	vmul.u32 $0x480000, v3;
	v1 =	vor.u32 v1, v2  }
0x6e: {  	p2 =	sgt.s32 s20, $0x0;
	s21 =	smov.u32 s20;
	v2 =	vsel vm1, $0xFFFFFFFF, v4;
	v4 =	vmul.u32 $0x18000, v5  }
0x6f: {  	s21 =	simm.s32 @!p2 $0x0;
	v1 =	vadd.s32 v3, v1  }
0x70: {  	s21 =	smin.u32 s21, $0x10;
	v3 =	vand.u32 $0xFFFFFC00, v2;
	v1 =	vadd.s32 v4, v1  }
0x71: {  	v2 =	vand.u32 $0x7F, v2;
	v4 =	vmov s21;
	v1 =	vsel vm1, $0xFEDE7800, v1  }
0x72: {  	vm1 =	vgt.u32 v4, v0;
	v1 =	vadd.s32 v3, v1  }
0x73: {  	v1 =	vor.u32 v2, v1  }
0x74: {  	v2 =	vnsel vm1, $0x7FFFFFFF, v1;
	v3 =	vadd.s32 $0x80, v1;
	v4 =	vadd.s32 $0x100, v1  }
0x75: {  	s21 =	sand.u32 $0x1C00, s22;
	v5 =	vadd.s32 $0x180, v1;
	v6 =	vadd.s32 $0x200, v1;
	v7 =	vadd.s32 $0x280, v1  }
0x76: {  	s23 =	sand.u32 $0x70, s18;
	s21 =	sadd.s32 s21, s17;
	v8 =	vadd.s32 $0x300, v1;
	v3 =	vnsel vm1, $0x7FFFFFFF, v3;
	v7 =	vnsel vm1, $0x7FFFFFFF, v7  }
0x77: {  	s23 =	sadd.s32 s23, s21;
	v9 =	vadd.s32 $0x380, v1;
	v10 =	vadd.s32 $0x400, v1;
	v8 =	vnsel vm1, $0x7FFFFFFF, v8;
	(ifvalue) =	ssetifvalue $0x7FFFFFFF  }
0x78: {  	s21 =	sadd.s32 $0x2380, s23;
	v11 =	vadd.s32 $0x480, v1;
	v9 =	vnsel vm1, $0x7FFFFFFF, v9;
	v10 =	vnsel vm1, $0x7FFFFFFF, v10  }
0x79: {  	[tilespmem:s23], [sflag:$0x1] =	stream.indirect_vreg.gather [hbm4b:s2+s11], $0x1, v2, vm0, $0x4038;
	v2 =	vnsel vm1, $0x7FFFFFFF, v4;
	v4 =	vnsel vm1, $0x7FFFFFFF, v11;
	v11 =	vadd.s32 $0x500, v1;
	[tilespmem:$0x8800] =	vst v63  }
0x7a: {  	s24 =	sadd.s32 $0x80, s23;
	v12 =	vadd.s32 $0x580, v1;
	v13 =	vadd.s32 $0x600, v1;
	(ifvalue) =	ssetifvalue $0x7FFFFFFF;
	v11 =	vnsel vm1, $0x7FFFFFFF, v11  }
0x7b: {  	v14 =	vadd.s32 $0x680, v1;
	v12 =	vnsel vm1, $0x7FFFFFFF, v12;
	v13 =	vnsel vm1, $0x7FFFFFFF, v13;
	(ifvalue) =	ssetifvalue $0x7FFFFFFF  }
0x7c: {  	[tilespmem:s24], [sflag:$0x1] =	stream.indirect_vreg.gather [hbm4b:s2+s11], $0x1, v3, vm0, $0x4038;
	v3 =	vnsel vm1, $0x7FFFFFFF, v5;
	v5 =	vnsel vm1, $0x7FFFFFFF, v14;
	v14 =	vadd.s32 $0x700, v1;
	[tilespmem:$0x8800] =	vst v63  }
0x7d: {  	s24 =	sadd.s32 $0x100, s23;
	v1 =	vadd.s32 $0x780, v1;
	(ifvalue) =	ssetifvalue $0x7FFFFFFF;
	v14 =	vnsel vm1, $0x7FFFFFFF, v14  }
0x7e: {  	v1 =	vnsel vm1, $0x7FFFFFFF, v1;
	(ifvalue) =	ssetifvalue $0x7FFFFFFF  }
0x7f: {  	[tilespmem:s24], [sflag:$0x1] =	stream.indirect_vreg.gather [hbm4b:s2+s11], $0x1, v2, vm0, $0x4038;
	v2 =	vnsel vm1, $0x7FFFFFFF, v6;
	[tilespmem:$0x8800] =	vst v63  }
0x80: {  	s24 =	sadd.s32 $0x180, s23;
	(ifvalue) =	ssetifvalue $0x7FFFFFFF  }
0x81: {  	(ifvalue) =	ssetifvalue $0x7FFFFFFF  }
0x82: {  	[tilespmem:s24], [sflag:$0x1] =	stream.indirect_vreg.gather [hbm4b:s2+s11], $0x1, v3, vm0, $0x4038;
	[tilespmem:$0x8800] =	vst v63  }
0x83: {  	s24 =	sadd.s32 $0x200, s23;
	(ifvalue) =	ssetifvalue $0x7FFFFFFF  }
0x84: {  	(ifvalue) =	ssetifvalue $0x7FFFFFFF  }
0x85: {  	[tilespmem:s24], [sflag:$0x1] =	stream.indirect_vreg.gather [hbm4b:s2+s11], $0x1, v2, vm0, $0x4038;
	[tilespmem:$0x8800] =	vst v63  }
0x86: {  	s24 =	sadd.s32 $0x280, s23;
	(ifvalue) =	ssetifvalue $0x7FFFFFFF  }
0x87: {  	(ifvalue) =	ssetifvalue $0x7FFFFFFF  }
0x88: {  	[tilespmem:s24], [sflag:$0x1] =	stream.indirect_vreg.gather [hbm4b:s2+s11], $0x1, v7, vm0, $0x4038;
	[tilespmem:$0x8800] =	vst v63  }
0x89: {  	s24 =	sadd.s32 $0x300, s23;
	(ifvalue) =	ssetifvalue $0x7FFFFFFF  }
0x8a: {  	s22 =	sor.u32 s22, s18;
	(ifvalue) =	ssetifvalue $0x7FFFFFFF  }
0x8b: {  	[tilespmem:s24], [sflag:$0x1] =	stream.indirect_vreg.gather [hbm4b:s2+s11], $0x1, v8, vm0, $0x4038;
	[tilespmem:$0x8800] =	vst v63  }
0x8c: {  	s22 =	sor.u32 $0x380, s22;
	(ifvalue) =	ssetifvalue $0x7FFFFFFF  }
0x8d: {  	s22 =	sadd.s32 s22, s17;
	(ifvalue) =	ssetifvalue $0x7FFFFFFF  }
0x8e: {  	[tilespmem:s22], [sflag:$0x1] =	stream.indirect_vreg.gather [hbm4b:s2+s11], $0x1, v9, vm0, $0x4038;
	[tilespmem:$0x8800] =	vst v63  }
0x8f: {  	s22 =	sadd.s32 $0x2000, s23;
	(ifvalue) =	ssetifvalue $0x7FFFFFFF  }
0x90: {  	(ifvalue) =	ssetifvalue $0x7FFFFFFF  }
0x91: {  	[tilespmem:s22], [sflag:$0x1] =	stream.indirect_vreg.gather [hbm4b:s2+s11], $0x1, v10, vm0, $0x4038;
	[tilespmem:$0x8800] =	vst v63  }
0x92: {  	s22 =	sadd.s32 $0x2080, s23;
	(ifvalue) =	ssetifvalue $0x7FFFFFFF  }
0x93: {  	(ifvalue) =	ssetifvalue $0x7FFFFFFF  }
0x94: {  	[tilespmem:s22], [sflag:$0x1] =	stream.indirect_vreg.gather [hbm4b:s2+s11], $0x1, v4, vm0, $0x4038;
	[tilespmem:$0x8800] =	vst v63  }
0x95: {  	s22 =	sadd.s32 $0x2100, s23;
	(ifvalue) =	ssetifvalue $0x7FFFFFFF  }
0x96: {  	(ifvalue) =	ssetifvalue $0x7FFFFFFF  }
0x97: {  	[tilespmem:s22], [sflag:$0x1] =	stream.indirect_vreg.gather [hbm4b:s2+s11], $0x1, v11, vm0, $0x4038;
	[tilespmem:$0x8800] =	vst v63  }
0x98: {  	s22 =	sadd.s32 $0x2180, s23;
	(ifvalue) =	ssetifvalue $0x7FFFFFFF  }
0x99: {  	(ifvalue) =	ssetifvalue $0x7FFFFFFF  }
0x9a: {  	[tilespmem:s22], [sflag:$0x1] =	stream.indirect_vreg.gather [hbm4b:s2+s11], $0x1, v12, vm0, $0x4038;
	[tilespmem:$0x8800] =	vst v63  }
0x9b: {  	s22 =	sadd.s32 $0x2200, s23;
	(ifvalue) =	ssetifvalue $0x7FFFFFFF  }
0x9c: {  	(ifvalue) =	ssetifvalue $0x7FFFFFFF  }
0x9d: {  	[tilespmem:s22], [sflag:$0x1] =	stream.indirect_vreg.gather [hbm4b:s2+s11], $0x1, v13, vm0, $0x4038;
	[tilespmem:$0x8800] =	vst v63  }
0x9e: {  	s22 =	sadd.s32 $0x2280, s23;
	(ifvalue) =	ssetifvalue $0x7FFFFFFF  }
0x9f: {  	(ifvalue) =	ssetifvalue $0x7FFFFFFF  }
0xa0: {  	[tilespmem:s22], [sflag:$0x1] =	stream.indirect_vreg.gather [hbm4b:s2+s11], $0x1, v5, vm0, $0x4038;
	[tilespmem:$0x8800] =	vst v63  }
.Ltmp3:
0xa1: {  	_ = 	snop;
	(pc) =	sbr.rel @p1 .LBB2_3-.Ltmp3, $4  }
0xa2: {  	(ifvalue) =	ssetifvalue $0x7FFFFFFF  }
0xa3: {  	s22 =	sadd.s32 $0x2300, s23;
	(ifvalue) =	ssetifvalue $0x7FFFFFFF  }
0xa4: {  	[tilespmem:s22], [sflag:$0x1] =	stream.indirect_vreg.gather [hbm4b:s2+s11], $0x1, v14, vm0, $0x4038;
	[tilespmem:$0x8800] =	vst v63  }
0xa5: {  	s20 =	sadd.s32 $0xFFFFFFF0, s20;
	(ifvalue) =	ssetifvalue $0x7FFFFFFF  }
.Ltmp4:
0xa6: {  	_ = 	snop;
	(pc) =	sbr.rel .LBB2_4-.Ltmp4, $1  }
0xa7: {  	_ =	sdelay $0x3  }
.LBB2_6:
0xa8: {  	_ =	sfence.sel $0x180000  }
0xa9: {  	s2 =	simm.s32 $0x2;
	[bflag:$0x0] =	sbarrier.arrive $0xFFFF  }
0xaa: {  	s30 =	simm.s32 $0x3;
	[sflag:s2] =	ssyncpa.u1 $0x1  }
0xab: {  	s31 =	simm.s32 $0x1;
	[sflag:s30] =	ssyncpa.u1 $0x1  }
0xac: {  	[sflag:s31] =	ssyncpa.u1 $0x1  }
0xad: {  	p0 =	sne.s32 s1, $0x0;
	_ =	strace $0x90000047  }
0xae: {  	s0 =	sadd.s32 @!p0 $0x100000, s0;
	[bflag:$0x2] =	sbarrier.arrive $0xFFFF  }
0xaf: {  	[sflag:s0] =	ssyncadd.tile.s32 @!p0 $0x1;
	_ =	shalt  }
.Lfunc_end2:
_tile_overlayer_lowered:
.L_overlay_start_2:
0xb0: {  	(tag) =	ssettag $0x2  }
0xb1: {  	s0 =	rddreg [dreg:$0x0];
	s2 =	stileid.u32  }
0xb2: {  	s1 =	rddreg [dreg:$0x1];
	p0 =	sne.s32 s2, $0x0  }
0xb3: {  	s3 =	rddreg [dreg:$0x2];
	[bflag:$0x3] =	sbarrier.arrive $0xFFFF;
	s2 =	simm.s32 @!p0 $0x1C01  }
0xb4: {  	[timem:s3], [sflag:s2] =	dma.local @!p0 [hbm:s0], s1  }
0xb5: {  	s0 =	simm.s32 @!p0 $0x1  }
0xb6: {  	_ =	swait.ge @!p0 [sflag:s0], s1  }
0xb7: {  	s1 =	ssub.s32 @!p0 $0x0, s1;
	[sflag:s0] =	ssyncset.done @!p0 $0x0  }
0xb8: {  	[sflag:s0] =	ssyncadd.s32 @!p0 s1  }
0xb9: {  	[bflag:$0x3] =	sbarrier.arrive $0xFFFF  }
0xba: {  	_ =	shalt  }

</sc_bundles>
